<compile_context>
chip_gen: v7x
topology: tpu7x:2x2x1
jax: 0.10.2.dev20260603
libtpu: 0.0.44.dev20260713+nightly
codegen_flags: <defaults>
</compile_context>

<pallas_src>
import functools

import jax
import jax.numpy as jnp
from jax import lax
from jax.experimental import pallas as pl
from jax.experimental.pallas import tpu as pltpu
from jax.experimental.pallas import tpu_sc as plsc

ATR_MULTIPLE = 2.0
L = 16


def _body(T, C, BPW,
          pos_hbm, prev_hbm, act_hbm, data_hbm, artr_hbm, date_hbm, time_hbm,
          out_hbm,
          pos_v, prev_v, act_v, date_v, time_v, idx1_v, idx2_v, atrv_v,
          refp_v, out_v, sem1, sem2):
    nc = 2
    wid = lax.axis_index("s") * nc + lax.axis_index("c")
    base = wid * BPW

    pltpu.sync_copy(date_hbm.at[pl.ds(base, BPW)], date_v)
    pltpu.sync_copy(time_hbm.at[pl.ds(base, BPW)], time_v)
    pltpu.sync_copy(pos_hbm.at[pl.ds(base, BPW)], pos_v)
    pltpu.sync_copy(act_hbm.at[pl.ds(base, BPW)], act_v)
    pltpu.sync_copy(prev_hbm.at[pl.ds(base, BPW)], prev_v)

    def idx_body(i, carry):
        o = i * L
        d = date_v[pl.ds(o, L)]
        t = time_v[pl.ds(o, L)]
        p = pos_v[pl.ds(o, L)]
        a = act_v[pl.ds(o, L)]
        idx1_v[pl.ds(o, L)] = d * T + t
        direction = jnp.sign(p + a)
        chan = jnp.where(p == 0.0, 3,
                         jnp.where(direction > 0.0, 1, 2)).astype(jnp.int32)
        idx2_v[pl.ds(o, L)] = (d * C + chan) * T + t
        return carry

    lax.fori_loop(0, BPW // L, idx_body, 0)

    cp1 = pltpu.async_copy(artr_hbm.at[idx1_v], atrv_v, sem1)
    cp2 = pltpu.async_copy(data_hbm.at[idx2_v], refp_v, sem2)
    cp1.wait()
    cp2.wait()

    def out_body(i, carry):
        o = i * L
        p = pos_v[pl.ds(o, L)]
        a = act_v[pl.ds(o, L)]
        prev0 = prev_v[pl.ds(o, L)]
        av = atrv_v[pl.ds(o, L)] * ATR_MULTIPLE + 1.0
        rp = refp_v[pl.ds(o, L)]
        direction = jnp.sign(p + a)
        prev = jnp.where(jnp.isnan(prev0) & (direction != 0.0),
                         -jnp.inf * direction, prev0)
        sp = jnp.where(direction > 0.0,
                       jnp.maximum(prev, rp / av),
                       jnp.minimum(prev, rp * av))
        sp = jnp.where(jnp.isnan(sp) | (direction == 0.0), prev, sp)
        out_v[pl.ds(o, L)] = sp
        return carry

    lax.fori_loop(0, BPW // L, out_body, 0)

    pltpu.sync_copy(out_v, out_hbm.at[pl.ds(base, BPW)])


@jax.jit
def kernel(position, prev_stop_loss, action, data, artr, date_idx, time_idx):
    D, T, C = data.shape
    B = position.shape[0]
    NW = 32
    BPW = B // NW

    data_flat = data.transpose(0, 2, 1).reshape(D * C * T)
    artr_flat = artr.reshape(D * T)
    date_i = date_idx.astype(jnp.int32)
    time_i = time_idx.astype(jnp.int32)

    mesh = plsc.VectorSubcoreMesh(core_axis_name="c", subcore_axis_name="s")
    run = pl.kernel(
        functools.partial(_body, T, C, BPW),
        out_type=jax.ShapeDtypeStruct((B,), jnp.float32),
        mesh=mesh,
        scratch_types=[
            pltpu.VMEM((BPW,), jnp.float32),
            pltpu.VMEM((BPW,), jnp.float32),
            pltpu.VMEM((BPW,), jnp.float32),
            pltpu.VMEM((BPW,), jnp.int32),
            pltpu.VMEM((BPW,), jnp.int32),
            pltpu.VMEM((BPW,), jnp.int32),
            pltpu.VMEM((BPW,), jnp.int32),
            pltpu.VMEM((BPW,), jnp.float32),
            pltpu.VMEM((BPW,), jnp.float32),
            pltpu.VMEM((BPW,), jnp.float32),
            pltpu.SemaphoreType.DMA,
            pltpu.SemaphoreType.DMA,
        ],
    )
    return run(position, prev_stop_loss, action, data_flat, artr_flat,
               date_i, time_i)

# --- scband reference (transcript-rebuilt; emitter-appended) ---
"""Pipeline reference for scband-artr-stop-loss-policy-88613765251846 (READ-ONLY COPY).

The authoritative reference and input builder live on the scoring server;
editing this copy changes nothing except your own understanding.
"""

import jax, jax.numpy as jnp
import numpy as np

ATR_MULTIPLE = 2.0


def setup_inputs(seed: int = 0) -> dict:
    key = jax.random.key(seed)
    ks = jax.random.split(key, 7)
    B = 16384
    D = 5000
    T = 1000
    C = 4
    date_idx = jax.random.randint(ks[0], (B,), 0, D)
    time_idx = jax.random.randint(ks[1], (B,), 0, T)
    position = jax.random.normal(ks[2], (B,), dtype=jnp.float32)
    prev_stop_loss = jax.random.uniform(ks[3], (B,), dtype=jnp.float32)
    action = jax.random.normal(ks[4], (B,), dtype=jnp.float32)
    # OHLC-like price table, strictly positive
    data = jax.random.uniform(ks[5], (D, T, C), dtype=jnp.float32) + 0.5
    # average true range ratios, small positive values
    artr = jax.random.uniform(ks[6], (D, T), dtype=jnp.float32) * 0.02
    return {
        'position': position,
        'prev_stop_loss': prev_stop_loss,
        'action': action,
        'data': data,
        'artr': artr,
        'date_idx': date_idx,
        'time_idx': time_idx,
    }


def reference(position, prev_stop_loss, action, data, artr, date_idx, time_idx):
    direction = jnp.sign(position + action)
    prev_stop = jnp.where(
        jnp.isnan(prev_stop_loss) & (direction != 0),
        jnp.inf * direction * -1.0,
        prev_stop_loss,
    )
    artr_v = artr[date_idx, time_idx] * ATR_MULTIPLE + 1.0
    reference_channel = jnp.where(
        position == 0, 3, jnp.where(direction > 0, 1, 2)
    ).astype(jnp.int32)
    reference_price = data[date_idx, time_idx, reference_channel]
    stop_price = jnp.where(
        direction > 0,
        jnp.maximum(prev_stop, reference_price / artr_v),
        jnp.minimum(prev_stop, reference_price * artr_v),
    )
    stop_price = jnp.where(
        jnp.isnan(stop_price) | (direction == 0), prev_stop, stop_price
    )
    return stop_price

if __name__ == "__main__":
    import jax
    _d = setup_inputs()
    print(jax.jit(kernel)(*tuple(_d.values())))

</pallas_src>

<mosaic_0001>
#map = affine_map<(d0, d1) -> (0)>
module attributes {stable_mosaic.version = 14 : i64} {
  func.func @_body(%arg0: i32, %arg1: i32, %arg2: memref<16384xf32, #tpu.memory_space<hbm>>, %arg3: memref<16384xf32, #tpu.memory_space<hbm>>, %arg4: memref<16384xf32, #tpu.memory_space<hbm>>, %arg5: memref<20000000xf32, #tpu.memory_space<hbm>>, %arg6: memref<5000000xf32, #tpu.memory_space<hbm>>, %arg7: memref<16384xi32, #tpu.memory_space<hbm>>, %arg8: memref<16384xi32, #tpu.memory_space<hbm>>, %arg9: memref<16384xf32, #tpu.memory_space<hbm>>, %arg10: memref<512xf32, #tpu.memory_space<vmem>>, %arg11: memref<512xf32, #tpu.memory_space<vmem>>, %arg12: memref<512xf32, #tpu.memory_space<vmem>>, %arg13: memref<512xi32, #tpu.memory_space<vmem>>, %arg14: memref<512xi32, #tpu.memory_space<vmem>>, %arg15: memref<512xi32, #tpu.memory_space<vmem>>, %arg16: memref<512xi32, #tpu.memory_space<vmem>>, %arg17: memref<512xf32, #tpu.memory_space<vmem>>, %arg18: memref<512xf32, #tpu.memory_space<vmem>>, %arg19: memref<512xf32, #tpu.memory_space<vmem>>, %arg20: memref<!tpu.dma_semaphore, #tpu.memory_space<semaphore_mem>>, %arg21: memref<!tpu.dma_semaphore, #tpu.memory_space<semaphore_mem>>) attributes {dimension_semantics = [#tpu.dimension_semantics<core_parallel>, #tpu.dimension_semantics<subcore_parallel>], iteration_bounds = array<i64: 2, 16>, scalar_prefetch = 0 : i64, scratch_operands = 12 : i64, tpu.core_type = #tpu.core_type<sc_vector_subcore>, window_params = [{transform_indices = #map}, {transform_indices = #map}, {transform_indices = #map}, {transform_indices = #map}, {transform_indices = #map}, {transform_indices = #map}, {transform_indices = #map}, {transform_indices = #map}]} {
    %mul3A = arith.constant 2 : i32
    %mul3A_0 = arith.muli %arg1, %mul3A : i32
    %add3A = arith.addi %mul3A_0, %arg0 : i32
    %mul3A_1 = arith.constant 512 : i32
    %mul3A_2 = arith.muli %add3A, %mul3A_1 : i32
    "tpu.region"() ({
      %run_scoped3A = tpu.sem_alloc : memref<!tpu.dma_semaphore, #tpu.memory_space<semaphore_mem>>
      %dma_start3A_20 = tpu.memref_slice %arg7[%mul3A_2] : memref<16384xi32, #tpu.memory_space<hbm>> -> memref<512xi32, #tpu.memory_space<hbm>>
      %dma_start3A_21 = tpu.memref_slice %arg7[%mul3A_2] : memref<16384xi32, #tpu.memory_space<hbm>> -> memref<512xi32, #tpu.memory_space<hbm>>
      tpu.enqueue_dma source(%dma_start3A_21 : memref<512xi32, #tpu.memory_space<hbm>>) target(%arg13 : memref<512xi32, #tpu.memory_space<vmem>>) target_semaphore(%run_scoped3A : memref<!tpu.dma_semaphore, #tpu.memory_space<semaphore_mem>>)
      %dma_wait3A_22 = tpu.memref_slice %arg7[%mul3A_2] : memref<16384xi32, #tpu.memory_space<hbm>> -> memref<512xi32, #tpu.memory_space<hbm>>
      %dma_wait3A_23 = tpu.memref_slice %arg7[%mul3A_2] : memref<16384xi32, #tpu.memory_space<hbm>> -> memref<512xi32, #tpu.memory_space<hbm>>
      tpu.wait_dma2 semaphore(%run_scoped3A : memref<!tpu.dma_semaphore, #tpu.memory_space<semaphore_mem>>) src(%dma_wait3A_23 : memref<512xi32, #tpu.memory_space<hbm>>) dst(%arg13 : memref<512xi32, #tpu.memory_space<vmem>>)
      tpu.yield
    }) : () -> ()
    "tpu.region"() ({
      %run_scoped3A = tpu.sem_alloc : memref<!tpu.dma_semaphore, #tpu.memory_space<semaphore_mem>>
      %dma_start3A_20 = tpu.memref_slice %arg8[%mul3A_2] : memref<16384xi32, #tpu.memory_space<hbm>> -> memref<512xi32, #tpu.memory_space<hbm>>
      %dma_start3A_21 = tpu.memref_slice %arg8[%mul3A_2] : memref<16384xi32, #tpu.memory_space<hbm>> -> memref<512xi32, #tpu.memory_space<hbm>>
      tpu.enqueue_dma source(%dma_start3A_21 : memref<512xi32, #tpu.memory_space<hbm>>) target(%arg14 : memref<512xi32, #tpu.memory_space<vmem>>) target_semaphore(%run_scoped3A : memref<!tpu.dma_semaphore, #tpu.memory_space<semaphore_mem>>)
      %dma_wait3A_22 = tpu.memref_slice %arg8[%mul3A_2] : memref<16384xi32, #tpu.memory_space<hbm>> -> memref<512xi32, #tpu.memory_space<hbm>>
      %dma_wait3A_23 = tpu.memref_slice %arg8[%mul3A_2] : memref<16384xi32, #tpu.memory_space<hbm>> -> memref<512xi32, #tpu.memory_space<hbm>>
      tpu.wait_dma2 semaphore(%run_scoped3A : memref<!tpu.dma_semaphore, #tpu.memory_space<semaphore_mem>>) src(%dma_wait3A_23 : memref<512xi32, #tpu.memory_space<hbm>>) dst(%arg14 : memref<512xi32, #tpu.memory_space<vmem>>)
      tpu.yield
    }) : () -> ()
    "tpu.region"() ({
      %run_scoped3A = tpu.sem_alloc : memref<!tpu.dma_semaphore, #tpu.memory_space<semaphore_mem>>
      %dma_start3A_20 = tpu.memref_slice %arg2[%mul3A_2] : memref<16384xf32, #tpu.memory_space<hbm>> -> memref<512xf32, #tpu.memory_space<hbm>>
      %dma_start3A_21 = tpu.memref_slice %arg2[%mul3A_2] : memref<16384xf32, #tpu.memory_space<hbm>> -> memref<512xf32, #tpu.memory_space<hbm>>
      tpu.enqueue_dma source(%dma_start3A_21 : memref<512xf32, #tpu.memory_space<hbm>>) target(%arg10 : memref<512xf32, #tpu.memory_space<vmem>>) target_semaphore(%run_scoped3A : memref<!tpu.dma_semaphore, #tpu.memory_space<semaphore_mem>>)
      %dma_wait3A_22 = tpu.memref_slice %arg2[%mul3A_2] : memref<16384xf32, #tpu.memory_space<hbm>> -> memref<512xf32, #tpu.memory_space<hbm>>
      %dma_wait3A_23 = tpu.memref_slice %arg2[%mul3A_2] : memref<16384xf32, #tpu.memory_space<hbm>> -> memref<512xf32, #tpu.memory_space<hbm>>
      tpu.wait_dma2 semaphore(%run_scoped3A : memref<!tpu.dma_semaphore, #tpu.memory_space<semaphore_mem>>) src(%dma_wait3A_23 : memref<512xf32, #tpu.memory_space<hbm>>) dst(%arg10 : memref<512xf32, #tpu.memory_space<vmem>>)
      tpu.yield
    }) : () -> ()
    "tpu.region"() ({
      %run_scoped3A = tpu.sem_alloc : memref<!tpu.dma_semaphore, #tpu.memory_space<semaphore_mem>>
      %dma_start3A_20 = tpu.memref_slice %arg4[%mul3A_2] : memref<16384xf32, #tpu.memory_space<hbm>> -> memref<512xf32, #tpu.memory_space<hbm>>
      %dma_start3A_21 = tpu.memref_slice %arg4[%mul3A_2] : memref<16384xf32, #tpu.memory_space<hbm>> -> memref<512xf32, #tpu.memory_space<hbm>>
      tpu.enqueue_dma source(%dma_start3A_21 : memref<512xf32, #tpu.memory_space<hbm>>) target(%arg12 : memref<512xf32, #tpu.memory_space<vmem>>) target_semaphore(%run_scoped3A : memref<!tpu.dma_semaphore, #tpu.memory_space<semaphore_mem>>)
      %dma_wait3A_22 = tpu.memref_slice %arg4[%mul3A_2] : memref<16384xf32, #tpu.memory_space<hbm>> -> memref<512xf32, #tpu.memory_space<hbm>>
      %dma_wait3A_23 = tpu.memref_slice %arg4[%mul3A_2] : memref<16384xf32, #tpu.memory_space<hbm>> -> memref<512xf32, #tpu.memory_space<hbm>>
      tpu.wait_dma2 semaphore(%run_scoped3A : memref<!tpu.dma_semaphore, #tpu.memory_space<semaphore_mem>>) src(%dma_wait3A_23 : memref<512xf32, #tpu.memory_space<hbm>>) dst(%arg12 : memref<512xf32, #tpu.memory_space<vmem>>)
      tpu.yield
    }) : () -> ()
    "tpu.region"() ({
      %run_scoped3A = tpu.sem_alloc : memref<!tpu.dma_semaphore, #tpu.memory_space<semaphore_mem>>
      %dma_start3A_20 = tpu.memref_slice %arg3[%mul3A_2] : memref<16384xf32, #tpu.memory_space<hbm>> -> memref<512xf32, #tpu.memory_space<hbm>>
      %dma_start3A_21 = tpu.memref_slice %arg3[%mul3A_2] : memref<16384xf32, #tpu.memory_space<hbm>> -> memref<512xf32, #tpu.memory_space<hbm>>
      tpu.enqueue_dma source(%dma_start3A_21 : memref<512xf32, #tpu.memory_space<hbm>>) target(%arg11 : memref<512xf32, #tpu.memory_space<vmem>>) target_semaphore(%run_scoped3A : memref<!tpu.dma_semaphore, #tpu.memory_space<semaphore_mem>>)
      %dma_wait3A_22 = tpu.memref_slice %arg3[%mul3A_2] : memref<16384xf32, #tpu.memory_space<hbm>> -> memref<512xf32, #tpu.memory_space<hbm>>
      %dma_wait3A_23 = tpu.memref_slice %arg3[%mul3A_2] : memref<16384xf32, #tpu.memory_space<hbm>> -> memref<512xf32, #tpu.memory_space<hbm>>
      tpu.wait_dma2 semaphore(%run_scoped3A : memref<!tpu.dma_semaphore, #tpu.memory_space<semaphore_mem>>) src(%dma_wait3A_23 : memref<512xf32, #tpu.memory_space<hbm>>) dst(%arg11 : memref<512xf32, #tpu.memory_space<vmem>>)
      tpu.yield
    }) : () -> ()
    %scan3A = arith.constant 0 : i32
    %scan3A_3 = arith.constant 0 : i32
    %scan3A_4 = arith.constant 32 : i32
    %scan3A_5 = arith.addi %scan3A_3, %scan3A_4 : i32
    %scan3A_6 = arith.constant 1 : i32
    scf.for %scan3A_20 = %scan3A_3 to %scan3A_5 step %scan3A_6  : i32 {
      %mul3A_21 = arith.constant 16 : i32
      %mul3A_22 = arith.muli %scan3A_20, %mul3A_21 : i32
      %get3A = arith.index_cast %mul3A_22 : i32 to index
      %get3A_23 = tpu.vector_load %arg13[%get3A] {strides = array<i32>} : memref<512xi32, #tpu.memory_space<vmem>>, vector<16xi32>,
      %get3A_24 = vector.shape_cast %get3A_23 : vector<16xi32> to vector<16xi32>
      %get3A_25 = arith.index_cast %mul3A_22 : i32 to index
      %get3A_26 = tpu.vector_load %arg14[%get3A_25] {strides = array<i32>} : memref<512xi32, #tpu.memory_space<vmem>>, vector<16xi32>,
      %get3A_27 = vector.shape_cast %get3A_26 : vector<16xi32> to vector<16xi32>
      %get3A_28 = arith.index_cast %mul3A_22 : i32 to index
      %get3A_29 = tpu.vector_load %arg10[%get3A_28] {strides = array<i32>} : memref<512xf32, #tpu.memory_space<vmem>>, vector<16xf32>,
      %get3A_30 = vector.shape_cast %get3A_29 : vector<16xf32> to vector<16xf32>
      %get3A_31 = arith.index_cast %mul3A_22 : i32 to index
      %get3A_32 = tpu.vector_load %arg12[%get3A_31] {strides = array<i32>} : memref<512xf32, #tpu.memory_space<vmem>>, vector<16xf32>,
      %get3A_33 = vector.shape_cast %get3A_32 : vector<16xf32> to vector<16xf32>
      %mul3A_34 = arith.constant 1000 : i32
      %mul3A_35 = vector.broadcast %mul3A_34 : i32 to vector<16xi32>
      %mul3A_36 = arith.muli %get3A_24, %mul3A_35 : vector<16xi32>
      %add3A_37 = arith.addi %mul3A_36, %get3A_27 : vector<16xi32>
      %swap3A = arith.index_cast %mul3A_22 : i32 to index
      %swap3A_38 = tpu.vector_load %arg15[%swap3A] {strides = array<i32>} : memref<512xi32, #tpu.memory_space<vmem>>, vector<16xi32>,
      %swap3A_39 = vector.shape_cast %swap3A_38 : vector<16xi32> to vector<16xi32>
      %swap3A_40 = vector.shape_cast %add3A_37 : vector<16xi32> to vector<16xi32>
      tpu.vector_store %arg15[%swap3A], %swap3A_40 {strides = array<i32>} : memref<512xi32, #tpu.memory_space<vmem>>, vector<16xi32>,
      %add3A_41 = arith.addf %get3A_30, %get3A_33 : vector<16xf32>
      %sign3A = tpu.bitcast %add3A_41 : vector<16xf32> -> vector<16xi32>
      %sign3A_42 = arith.constant -2147483648 : i32
      %sign3A_43 = vector.broadcast %sign3A_42 : i32 to vector<16xi32>
      %sign3A_44 = arith.andi %sign3A, %sign3A_43 : vector<16xi32>
      %sign3A_45 = arith.constant 1065353216 : i32
      %sign3A_46 = vector.broadcast %sign3A_45 : i32 to vector<16xi32>
      %sign3A_47 = arith.ori %sign3A_46, %sign3A_44 : vector<16xi32>
      %sign3A_48 = tpu.bitcast %sign3A_47 : vector<16xi32> -> vector<16xf32>
      %sign3A_49 = math.absf %add3A_41 : vector<16xf32>
      %sign3A_50 = arith.constant 0.000000e+00 : f32
      %sign3A_51 = vector.broadcast %sign3A_50 : f32 to vector<16xf32>
      %sign3A_52 = arith.cmpf ogt, %sign3A_49, %sign3A_51 : vector<16xf32>
      %sign3A_53 = arith.select %sign3A_52, %sign3A_48, %add3A_41 : vector<16xi1>, vector<16xf32>
      %eq3A = arith.constant 0.000000e+00 : f32
      %eq3A_54 = vector.broadcast %eq3A : f32 to vector<16xf32>
      %eq3A_55 = arith.cmpf oeq, %get3A_30, %eq3A_54 : vector<16xf32>
      %gt3A = arith.constant 0.000000e+00 : f32
      %gt3A_56 = vector.broadcast %gt3A : f32 to vector<16xf32>
      %gt3A_57 = arith.cmpf ogt, %sign3A_53, %gt3A_56 : vector<16xf32>
      %jit3A = arith.constant 1 : i32
      %jit3A_58 = arith.constant 2 : i32
      %broadcast_in_dim3A = vector.broadcast %jit3A : i32 to vector<16xi32>
      %broadcast_in_dim3A_59 = vector.broadcast %jit3A_58 : i32 to vector<16xi32>
      %select_n3A = arith.select %gt3A_57, %broadcast_in_dim3A, %broadcast_in_dim3A_59 : vector<16xi1>, vector<16xi32>
      %jit3A_60 = arith.constant 3 : i32
      %broadcast_in_dim3A_61 = vector.broadcast %jit3A_60 : i32 to vector<16xi32>
      %select_n3A_62 = arith.select %eq3A_55, %broadcast_in_dim3A_61, %select_n3A : vector<16xi1>, vector<16xi32>
      %mul3A_63 = arith.constant 4 : i32
      %mul3A_64 = vector.broadcast %mul3A_63 : i32 to vector<16xi32>
      %mul3A_65 = arith.muli %get3A_24, %mul3A_64 : vector<16xi32>
      %add3A_66 = arith.addi %mul3A_65, %select_n3A_62 : vector<16xi32>
      %mul3A_67 = arith.constant 1000 : i32
      %mul3A_68 = vector.broadcast %mul3A_67 : i32 to vector<16xi32>
      %mul3A_69 = arith.muli %add3A_66, %mul3A_68 : vector<16xi32>
      %add3A_70 = arith.addi %mul3A_69, %get3A_27 : vector<16xi32>
      %swap3A_71 = arith.index_cast %mul3A_22 : i32 to index
      %swap3A_72 = tpu.vector_load %arg16[%swap3A_71] {strides = array<i32>} : memref<512xi32, #tpu.memory_space<vmem>>, vector<16xi32>,
      %swap3A_73 = vector.shape_cast %swap3A_72 : vector<16xi32> to vector<16xi32>
      %swap3A_74 = vector.shape_cast %add3A_70 : vector<16xi32> to vector<16xi32>
      tpu.vector_store %arg16[%swap3A_71], %swap3A_74 {strides = array<i32>} : memref<512xi32, #tpu.memory_space<vmem>>, vector<16xi32>,
    }
    %scan3A_7 = arith.constant 32 : i32
    %dma_start3A = arith.constant 0 : i32
    %dma_start3A_8 = tpu.memref_slice %arg6[%dma_start3A] : memref<5000000xf32, #tpu.memory_space<hbm>> -> memref<5000000xf32, #tpu.memory_space<hbm>>
    tpu.enqueue_indirect_dma source(%dma_start3A_8 : memref<5000000xf32, #tpu.memory_space<hbm>>) target(%arg17 : memref<512xf32, #tpu.memory_space<vmem>>) offsets(%arg15 : memref<512xi32, #tpu.memory_space<vmem>>) semaphore(%arg20 : memref<!tpu.dma_semaphore, #tpu.memory_space<semaphore_mem>>)
    %dma_start3A_9 = arith.constant 0 : i32
    %dma_start3A_10 = tpu.memref_slice %arg5[%dma_start3A_9] : memref<20000000xf32, #tpu.memory_space<hbm>> -> memref<20000000xf32, #tpu.memory_space<hbm>>
    tpu.enqueue_indirect_dma source(%dma_start3A_10 : memref<20000000xf32, #tpu.memory_space<hbm>>) target(%arg18 : memref<512xf32, #tpu.memory_space<vmem>>) offsets(%arg16 : memref<512xi32, #tpu.memory_space<vmem>>) semaphore(%arg21 : memref<!tpu.dma_semaphore, #tpu.memory_space<semaphore_mem>>)
    %dma_wait3A = arith.constant 0 : i32
    %dma_wait3A_11 = tpu.memref_slice %arg6[%dma_wait3A] : memref<5000000xf32, #tpu.memory_space<hbm>> -> memref<5000000xf32, #tpu.memory_space<hbm>>
    tpu.wait_indirect_dma semaphore(%arg20 : memref<!tpu.dma_semaphore, #tpu.memory_space<semaphore_mem>>) src(%dma_wait3A_11 : memref<5000000xf32, #tpu.memory_space<hbm>>) dst(%arg17 : memref<512xf32, #tpu.memory_space<vmem>>)
    %dma_wait3A_12 = arith.constant 0 : i32
    %dma_wait3A_13 = tpu.memref_slice %arg5[%dma_wait3A_12] : memref<20000000xf32, #tpu.memory_space<hbm>> -> memref<20000000xf32, #tpu.memory_space<hbm>>
    tpu.wait_indirect_dma semaphore(%arg21 : memref<!tpu.dma_semaphore, #tpu.memory_space<semaphore_mem>>) src(%dma_wait3A_13 : memref<20000000xf32, #tpu.memory_space<hbm>>) dst(%arg18 : memref<512xf32, #tpu.memory_space<vmem>>)
    %scan3A_14 = arith.constant 0 : i32
    %scan3A_15 = arith.constant 0 : i32
    %scan3A_16 = arith.constant 32 : i32
    %scan3A_17 = arith.addi %scan3A_15, %scan3A_16 : i32
    %scan3A_18 = arith.constant 1 : i32
    scf.for %scan3A_20 = %scan3A_15 to %scan3A_17 step %scan3A_18  : i32 {
      %mul3A_21 = arith.constant 16 : i32
      %mul3A_22 = arith.muli %scan3A_20, %mul3A_21 : i32
      %get3A = arith.index_cast %mul3A_22 : i32 to index
      %get3A_23 = tpu.vector_load %arg10[%get3A] {strides = array<i32>} : memref<512xf32, #tpu.memory_space<vmem>>, vector<16xf32>,
      %get3A_24 = vector.shape_cast %get3A_23 : vector<16xf32> to vector<16xf32>
      %get3A_25 = arith.index_cast %mul3A_22 : i32 to index
      %get3A_26 = tpu.vector_load %arg12[%get3A_25] {strides = array<i32>} : memref<512xf32, #tpu.memory_space<vmem>>, vector<16xf32>,
      %get3A_27 = vector.shape_cast %get3A_26 : vector<16xf32> to vector<16xf32>
      %get3A_28 = arith.index_cast %mul3A_22 : i32 to index
      %get3A_29 = tpu.vector_load %arg11[%get3A_28] {strides = array<i32>} : memref<512xf32, #tpu.memory_space<vmem>>, vector<16xf32>,
      %get3A_30 = vector.shape_cast %get3A_29 : vector<16xf32> to vector<16xf32>
      %get3A_31 = arith.index_cast %mul3A_22 : i32 to index
      %get3A_32 = tpu.vector_load %arg17[%get3A_31] {strides = array<i32>} : memref<512xf32, #tpu.memory_space<vmem>>, vector<16xf32>,
      %get3A_33 = vector.shape_cast %get3A_32 : vector<16xf32> to vector<16xf32>
      %mul3A_34 = arith.constant 2.000000e+00 : f32
      %mul3A_35 = vector.broadcast %mul3A_34 : f32 to vector<16xf32>
      %mul3A_36 = arith.mulf %get3A_33, %mul3A_35 : vector<16xf32>
      %add3A_37 = arith.constant 1.000000e+00 : f32
      %add3A_38 = vector.broadcast %add3A_37 : f32 to vector<16xf32>
      %add3A_39 = arith.addf %mul3A_36, %add3A_38 : vector<16xf32>
      %get3A_40 = arith.index_cast %mul3A_22 : i32 to index
      %get3A_41 = tpu.vector_load %arg18[%get3A_40] {strides = array<i32>} : memref<512xf32, #tpu.memory_space<vmem>>, vector<16xf32>,
      %get3A_42 = vector.shape_cast %get3A_41 : vector<16xf32> to vector<16xf32>
      %add3A_43 = arith.addf %get3A_24, %get3A_27 : vector<16xf32>
      %sign3A = tpu.bitcast %add3A_43 : vector<16xf32> -> vector<16xi32>
      %sign3A_44 = arith.constant -2147483648 : i32
      %sign3A_45 = vector.broadcast %sign3A_44 : i32 to vector<16xi32>
      %sign3A_46 = arith.andi %sign3A, %sign3A_45 : vector<16xi32>
      %sign3A_47 = arith.constant 1065353216 : i32
      %sign3A_48 = vector.broadcast %sign3A_47 : i32 to vector<16xi32>
      %sign3A_49 = arith.ori %sign3A_48, %sign3A_46 : vector<16xi32>
      %sign3A_50 = tpu.bitcast %sign3A_49 : vector<16xi32> -> vector<16xf32>
      %sign3A_51 = math.absf %add3A_43 : vector<16xf32>
      %sign3A_52 = arith.constant 0.000000e+00 : f32
      %sign3A_53 = vector.broadcast %sign3A_52 : f32 to vector<16xf32>
      %sign3A_54 = arith.cmpf ogt, %sign3A_51, %sign3A_53 : vector<16xf32>
      %sign3A_55 = arith.select %sign3A_54, %sign3A_50, %add3A_43 : vector<16xi1>, vector<16xf32>
      %ne3A = arith.cmpf one, %get3A_30, %get3A_30 : vector<16xf32>
      %ne3A_56 = arith.constant 0.000000e+00 : f32
      %ne3A_57 = vector.broadcast %ne3A_56 : f32 to vector<16xf32>
      %ne3A_58 = arith.cmpf one, %sign3A_55, %ne3A_57 : vector<16xf32>
      %and3A = arith.andi %ne3A, %ne3A_58 : vector<16xi1>
      %mul3A_59 = arith.constant 0xFF800000 : f32
      %mul3A_60 = vector.broadcast %mul3A_59 : f32 to vector<16xf32>
      %mul3A_61 = arith.mulf %mul3A_60, %sign3A_55 : vector<16xf32>
      %select_n3A = arith.select %and3A, %mul3A_61, %get3A_30 : vector<16xi1>, vector<16xf32>
      %gt3A = arith.constant 0.000000e+00 : f32
      %gt3A_62 = vector.broadcast %gt3A : f32 to vector<16xf32>
      %gt3A_63 = arith.cmpf ogt, %sign3A_55, %gt3A_62 : vector<16xf32>
      %div3A = arith.divf %get3A_42, %add3A_39 : vector<16xf32>
      %max3A = arith.maximumf %select_n3A, %div3A : vector<16xf32>
      %mul3A_64 = arith.mulf %get3A_42, %add3A_39 : vector<16xf32>
      %min3A = arith.minimumf %select_n3A, %mul3A_64 : vector<16xf32>
      %select_n3A_65 = arith.select %gt3A_63, %max3A, %min3A : vector<16xi1>, vector<16xf32>
      %ne3A_66 = arith.cmpf one, %select_n3A_65, %select_n3A_65 : vector<16xf32>
      %eq3A = arith.constant 0.000000e+00 : f32
      %eq3A_67 = vector.broadcast %eq3A : f32 to vector<16xf32>
      %eq3A_68 = arith.cmpf oeq, %sign3A_55, %eq3A_67 : vector<16xf32>
      %or3A = arith.ori %ne3A_66, %eq3A_68 : vector<16xi1>
      %select_n3A_69 = arith.select %or3A, %select_n3A, %select_n3A_65 : vector<16xi1>, vector<16xf32>
      %swap3A = arith.index_cast %mul3A_22 : i32 to index
      %swap3A_70 = tpu.vector_load %arg19[%swap3A] {strides = array<i32>} : memref<512xf32, #tpu.memory_space<vmem>>, vector<16xf32>,
      %swap3A_71 = vector.shape_cast %swap3A_70 : vector<16xf32> to vector<16xf32>
      %swap3A_72 = vector.shape_cast %select_n3A_69 : vector<16xf32> to vector<16xf32>
      tpu.vector_store %arg19[%swap3A], %swap3A_72 {strides = array<i32>} : memref<512xf32, #tpu.memory_space<vmem>>, vector<16xf32>,
    }
    %scan3A_19 = arith.constant 32 : i32
    "tpu.region"() ({
      %run_scoped3A = tpu.sem_alloc : memref<!tpu.dma_semaphore, #tpu.memory_space<semaphore_mem>>
      %dma_start3A_20 = tpu.memref_slice %arg9[%mul3A_2] : memref<16384xf32, #tpu.memory_space<hbm>> -> memref<512xf32, #tpu.memory_space<hbm>>
      %dma_start3A_21 = tpu.memref_slice %arg9[%mul3A_2] : memref<16384xf32, #tpu.memory_space<hbm>> -> memref<512xf32, #tpu.memory_space<hbm>>
      tpu.enqueue_dma source(%arg19 : memref<512xf32, #tpu.memory_space<vmem>>) target(%dma_start3A_21 : memref<512xf32, #tpu.memory_space<hbm>>) target_semaphore(%run_scoped3A : memref<!tpu.dma_semaphore, #tpu.memory_space<semaphore_mem>>)
      %dma_wait3A_22 = tpu.memref_slice %arg9[%mul3A_2] : memref<16384xf32, #tpu.memory_space<hbm>> -> memref<512xf32, #tpu.memory_space<hbm>>
      %dma_wait3A_23 = tpu.memref_slice %arg9[%mul3A_2] : memref<16384xf32, #tpu.memory_space<hbm>> -> memref<512xf32, #tpu.memory_space<hbm>>
      tpu.wait_dma2 semaphore(%run_scoped3A : memref<!tpu.dma_semaphore, #tpu.memory_space<semaphore_mem>>) src(%arg19 : memref<512xf32, #tpu.memory_space<vmem>>) dst(%dma_wait3A_23 : memref<512xf32, #tpu.memory_space<hbm>>)
      tpu.yield
    }) : () -> ()
    return
  }
}

</mosaic_0001>

<sc_bundles>
// kernel: kernel.3.cloned.1.call-start
scs
__scs_entry_jumppad:
0x0: {  	(pc) =	sbr.rel $0x88, $3  }
0x1: {  	(tag) =	ssettag $0x0;
	lr =	simm.s32 $0x1  }
0x2: {  	[smem:$0x3F9A] =	sst lr;
	_ =	strace $0xD0000000  }
0x3: {  	_ = 	snop  }
0x4: {  	_ = 	snop  }
0x5: {  	_ = 	snop  }
0x6: {  	_ = 	snop  }
0x7: {  	_ = 	snop  }
__scs_overlays_trampoline_lowered:
0x8: {  	[smem:$0x3FA9] =	sst s0  }
0x9: {  	[smem:$0x3FAA] =	sst s1  }
0xa: {  	[smem:$0x3FAB] =	sst s2  }
0xb: {  	[smem:$0x3FAC] =	sst s3  }
0xc: {  	[smem:$0x3FAD] =	sst s4  }
0xd: {  	[smem:$0x3FAE] =	sst s5  }
0xe: {  	[smem:$0x3FAF] =	sst s6  }
0xf: {  	[smem:$0x3FB0] =	sst s7  }
0x10: {  	[smem:$0x3FB1] =	sst s8  }
0x11: {  	[smem:$0x3FB2] =	sst s9;
	s0 =	simm.s32 @!p0 $0x0  }
0x12: {  	s1 =	sld [smem:$0x3F98];
	s0 =	simm.s32 @p0 $0x1  }
0x13: {  	[smem:$0x3FB3] =	sst s0;
	s0 =	simm.s32 @!p1 $0x0  }
0x14: {  	s2 =	sld [smem:$0x3F97];
	s0 =	simm.s32 @p1 $0x1  }
0x15: {  	[smem:$0x3FB4] =	sst s0;
	s0 =	simm.s32 @!p2 $0x0  }
0x16: {  	s3 =	sld [smem:$0x3FDB];
	s0 =	simm.s32 @p2 $0x1  }
0x17: {  	s4 =	simm.s32 $0x1BF5;
	[smem:$0x3FB6] =	sst s0  }
0x18: {  	s0 =	sld [smem:$0x3F99];
	_ =	swait.ge [sflag:s4], $0x0  }
0x19: {  	s7 =	sld [smem:$0x3F9A]  }
0x1a: {  	s8 =	sadd.s32 $0xFFFFE003, lr  }
0x1b: {  	s9 =	sadd.s32 $0xFFFFFEF7, lr;
	s5 =	simm.s32 $0xFFFFFFFF;
	p2 =	slt.u32 s8, $0xFFFFF086  }
0x1c: {  	p1 =	slt.u32 s9, $0xF7A;
	s5 =	simm.s32 @!p2 $0x0  }
0x1d: {  	s5 =	simm.s32 @p1 $0x1;
	p0 =	seq.s32 s7, s2  }
0x1e: {  	s7 =	smul.u32 @!p0 $0xF7A, s2;
	p2 =	seq.s32 @!p0 s5, $0x0  }
0x1f: {  	s9 =	smul.u32 $0xF7A, s1;
	s8 =	simm.s32 @!p0 $0x1BF5;
	p2 =	por !p2, p0  }
0x20: {  	[sflag:s8] =	ssyncset.s32 @!p0 $0xFFFFF086;
	s6 =	sadd.s32 @!p0 s3, s7;
	s7 =	simm.s32 @!p0 $0x108  }
0x21: {  	s3 =	sadd.s32 s3, s9;
	s6 =	sadd.s32 @!p0 $0x88, s6;
	s7 =	simm.s32 @p2 $0x1082  }
0x22: {  	[simem:s7], [sflag:s8] =	dma.local @!p0 [hbm:s6], $0xF7A  }
0x23: {  	s9 =	sor.u32 $0xD0000000, s2;
	s6 =	simm.s32 $0x108;
	_ =	swait.ge @!p0 [sflag:s8], $0x0  }
0x24: {  	s3 =	sadd.s32 $0x88, s3;
	s6 =	simm.s32 @!p1 $0x1082;
	[sflag:s4] =	ssyncset.s32 $0xFFFFF086  }
0x25: {  	[simem:s6], [sflag:s4] =	dma.local [hbm:s3], $0xF7A  }
0x26: {  	[smem:$0x3F9A] =	sst s1;
	(tag) =	ssettag s2;
	_ =	strace s9  }
0x27: {  	s1 =	sld [smem:$0x3FAA]  }
0x28: {  	s2 =	sld [smem:$0x3FAB]  }
0x29: {  	s4 =	sld [smem:$0x3FAD]  }
0x2a: {  	p0 =	seq.s32 s5, $0x0;
	s5 =	sld [smem:$0x3FAE]  }
0x2b: {  	s6 =	sld [smem:$0x3FAF]  }
0x2c: {  	s7 =	sld [smem:$0x3FB0]  }
0x2d: {  	s3 =	simm.s32 $0x108;
	s8 =	sld [smem:$0x3FB1]  }
0x2e: {  	s3 =	simm.s32 @!p0 $0x1082;
	s9 =	sld [smem:$0x3FB2]  }
0x2f: {  	lr =	sadd.s32 s0, s3;
	s0 =	sld [smem:$0x3FA9]  }
0x30: {  	s3 =	sld [smem:$0x3FAC]  }
0x31: {  	[smem:$0x3FB5] =	sst s10  }
0x32: {  	s10 =	sld [smem:$0x3FB3];
	_ =	sdelay $0x3  }
0x33: {  	p0 =	seq.s32 s10, $0x1;
	s10 =	sld [smem:$0x3FB5];
	_ =	sdelay $0x3  }
0x34: {  	[smem:$0x3FB5] =	sst s10  }
0x35: {  	s10 =	sld [smem:$0x3FB4];
	_ =	sdelay $0x3  }
0x36: {  	p1 =	seq.s32 s10, $0x1;
	s10 =	sld [smem:$0x3FB5];
	_ =	sdelay $0x3  }
0x37: {  	[smem:$0x3FB5] =	sst s10  }
0x38: {  	s10 =	sld [smem:$0x3FB6]  }
0x39: {  	_ = 	snop;
	(pc) =	sbr.ind lr, $3  }
0x3a: {  	_ = 	snop  }
0x3b: {  	_ = 	snop  }
0x3c: {  	p2 =	seq.s32 s10, $0x1;
	s10 =	sld [smem:$0x3FB5]  }
0x3d: {  	_ =	shalt  }
0x3e: {  	_ =	shalt  }
0x3f: {  	_ =	shalt  }
0x40: {  	_ =	shalt  }
0x41: {  	_ =	shalt  }
0x42: {  	_ =	shalt  }
0x43: {  	_ =	shalt  }
0x44: {  	_ =	shalt  }
0x45: {  	_ =	shalt  }
0x46: {  	_ =	shalt  }
0x47: {  	_ =	shalt  }
0x48: {  	_ =	shalt  }
0x49: {  	_ =	shalt  }
0x4a: {  	_ =	shalt  }
0x4b: {  	_ =	shalt  }
0x4c: {  	_ =	shalt  }
0x4d: {  	_ =	shalt  }
0x4e: {  	_ =	shalt  }
0x4f: {  	_ =	shalt  }
0x50: {  	_ =	shalt  }
0x51: {  	_ =	shalt  }
0x52: {  	_ =	shalt  }
0x53: {  	_ =	shalt  }
0x54: {  	_ =	shalt  }
0x55: {  	_ =	shalt  }
0x56: {  	_ =	shalt  }
0x57: {  	_ =	shalt  }
0x58: {  	_ =	shalt  }
0x59: {  	_ =	shalt  }
0x5a: {  	_ =	shalt  }
0x5b: {  	_ =	shalt  }
0x5c: {  	_ =	shalt  }
0x5d: {  	_ =	shalt  }
0x5e: {  	_ =	shalt  }
0x5f: {  	_ =	shalt  }
0x60: {  	_ =	shalt  }
0x61: {  	_ =	shalt  }
0x62: {  	_ =	shalt  }
0x63: {  	_ =	shalt  }
0x64: {  	_ =	shalt  }
0x65: {  	_ =	shalt  }
0x66: {  	_ =	shalt  }
0x67: {  	_ =	shalt  }
0x68: {  	_ =	shalt  }
0x69: {  	_ =	shalt  }
0x6a: {  	_ =	shalt  }
0x6b: {  	_ =	shalt  }
0x6c: {  	_ =	shalt  }
0x6d: {  	_ =	shalt  }
0x6e: {  	_ =	shalt  }
0x6f: {  	_ =	shalt  }
0x70: {  	_ =	shalt  }
0x71: {  	_ =	shalt  }
0x72: {  	_ =	shalt  }
0x73: {  	_ =	shalt  }
0x74: {  	_ =	shalt  }
0x75: {  	_ =	shalt  }
0x76: {  	_ =	shalt  }
0x77: {  	_ =	shalt  }
0x78: {  	_ =	shalt  }
0x79: {  	_ =	shalt  }
0x7a: {  	_ =	shalt  }
0x7b: {  	_ =	shalt  }
0x7c: {  	_ =	shalt  }
0x7d: {  	_ =	shalt  }
0x7e: {  	_ =	shalt  }
0x7f: {  	_ =	shalt  }
0x80: {  	_ =	shalt  }
0x81: {  	_ =	shalt  }
0x82: {  	_ =	shalt  }
0x83: {  	_ =	shalt  }
0x84: {  	_ =	shalt  }
0x85: {  	_ =	shalt  }
0x86: {  	_ =	shalt  }
0x87: {  	_ =	shalt  }
.Lfunc_end0:
.L_simem_size_0:
called_computation_lowered:
.L_overlay_start_0:
0x88: {  	s2 =	sld [smem:$0x3FD9]  }
0x89: {  	s3 =	sld [smem:$0x3FFE];
	_ =	sdelay $0x1  }
0x8a: {  	s1 =	srdreg.scid  }
0x8b: {  	s0 =	sand.u32 $0x1, s1  }
0x8c: {  	s17 =	sshll.u32 s0, $0xA;
	s2 =	sadd.s32 s3, s2  }
0x8d: {  	s2 =	sadd.s32 s2, s17  }
0x8e: {  	[smem:$0x3FC1] =	sst s2  }
0x8f: {  	_ = 	snop  }
0x90: {  	s2 =	sld [smem:$0x3FC9]  }
0x91: {  	s18 =	sld [smem:$0x3FC8]  }
0x92: {  	s4 =	sld [smem:$0x3FC7]  }
0x93: {  	s5 =	sld [smem:$0x3FC4]  }
0x94: {  	s6 =	sld [smem:$0x3FC3]  }
0x95: {  	s7 =	sld [smem:$0x3FD0];
	(tm) =	ssettm $0x1  }
0x96: {  	s8 =	sld [smem:$0x3FFB];
	_ =	sdelay $0x3  }
0x97: {  	_ =	strace s8  }
0x98: {  	s8 =	sld [smem:$0x3FFC];
	_ =	sdelay $0x3  }
0x99: {  	_ =	strace s8  }
0x9a: {  	s8 =	sld [smem:$0x3FFD];
	_ =	sdelay $0x3  }
0x9b: {  	_ =	strace s8  }
0x9c: {  	_ =	strace $0x8FFFFFFF  }
0x9d: {  	s19 =	sld [smem:$0x3FDB];
	_ =	sdelay $0x1  }
0x9e: {  	s9 =	simm.s32 $_scs_section_size  }
0x9f: {  	s10 =	simm.s32 $_size__tile_overlayer_lowered;
	s11 =	simm.s32 $_tile_overlayer_lowered  }
0xa0: {  	s22 =	simm.s32 $0x1BFF;
	s21 =	sshll.u32 s11, $0x1;
	s8 =	sadd.s32 s9, s19  }
0xa1: {  	s12 =	simm.s32 $0x0;
	s20 =	sshll.u32 s10, $0x1;
	s10 =	sadd.s32 s21, s8  }
0xa2: {  	[timem:s12], [sflag:s22] =	dma.local [hbm:s10], s20  }
0xa3: {  	_ =	swait.ge [sflag:s22], s20  }
0xa4: {  	s9 =	ssub.s32 $0x0, s20;
	[sflag:s22] =	ssyncset.done $0x0  }
0xa5: {  	[sflag:s22] =	ssyncadd.s32 s9;
	_ =	sdelay $0x1  }
0xa6: {  	s23 =	simm.s32 $0x1B8B  }
0xa7: {  	_ =	swait.ge [sflag:s23], $0x1  }
0xa8: {  	[sflag:s23] =	ssyncset.done $0x0  }
0xa9: {  	s25 =	simm.s32 $0x1B8E;
	s24 =	sld [smem:$0x3FFE];
	[sflag:s23] =	ssyncadd.s32 $0xFFFFFFFF  }
0xaa: {  	s26 =	simm.s32 $execute0_lowered;
	[smem:$0x3FD2] =	sst s25  }
0xab: {  	s10 =	sshll.u32 s26, $0x1;
	_ =	strace $0x80000046;
	[dreg:$0x1] =	wrdreg $0xFFFFFFFF  }
0xac: {  	s28 =	simm.s32 $_size_execute0_lowered;
	s8 =	sadd.s32 s8, s10;
	[dreg:$0x0] =	wrdreg $0x0  }
0xad: {  	s10 =	sshll.u32 s28, $0x1;
	[dreg:$0x2] =	wrdreg s8  }
0xae: {  	[dreg:$0x3] =	wrdreg s10  }
0xaf: {  	[dreg:$0x4] =	wrdreg $0xC0  }
0xb0: {  	_ =	task [dreg:s12], $0x5FFFF  }
0xb1: {  	[dreg:$0x1] =	wrdreg $0xFFFFFFFF  }
0xb2: {  	[dreg:$0x0] =	wrdreg $0x60  }
0xb3: {  	[dreg:$0x2] =	wrdreg s2  }
0xb4: {  	[dreg:$0x3] =	wrdreg s18  }
0xb5: {  	[dreg:$0x4] =	wrdreg s4  }
0xb6: {  	[dreg:$0x5] =	wrdreg s24  }
0xb7: {  	[dreg:$0x6] =	wrdreg s5  }
0xb8: {  	[dreg:$0x7] =	wrdreg s6  }
0xb9: {  	[dreg:$0x8] =	wrdreg s7  }
0xba: {  	[dreg:$0x9] =	wrdreg $0x9  }
0xbb: {  	_ =	task.clear_ibuf [dreg:s12], $0xAFFFF;
	_ =	strace $0x90000046  }
0xbc: {  	s29 =	simm.s32 $0x9;
	_ =	strace $0x80000048  }
0xbd: {  	_ =	swait.ge [sflag:s29], $0x1  }
0xbe: {  	[sflag:s29] =	ssyncadd.s32 $0xFFFFFFFF  }
0xbf: {  	_ =	strace $0x90000048  }
0xc0: {  	_ =	sfence  }
0xc1: {  	s30 =	sld [smem:$0x0];
	_ =	sdelay $0x2  }
0xc2: {  	s31 =	sshll.u32 s1, $0xD;
	s1 =	sshrl.u32 s1, $0x2  }
0xc3: {  	s3 =	sand.u32 $0x4000, s31;
	s1 =	sadd.s32 s1, s30  }
0xc4: {  	s0 =	sor.u32 s3, s0;
	s1 =	sshll.u32 s1, $0x11  }
0xc5: {  	s0 =	sor.u32 s1, s0  }
0xc6: {  	s0 =	sadd.s32 $0x8F2B, s0  }
0xc7: {  	[sflag:s0] =	ssyncadd.remote.s32 $0x1  }
0xc8: {  	_ =	sfence.sel $0xFFFF  }
0xc9: {  	[dreg:$0x0] =	wrdreg $0xFFFFFFFF;
	(pc) =	sbr.abs _section_cstart, $3  }
0xca: {  	[dreg:$0x1] =	wrdreg $0xFFFFFFFF  }
0xcb: {  	_ =	task.clear_ibuf [dreg:s12], $0x2FFFF;
	_ =	strace $0x9FFFFFFF  }
0xcc: {  	(tm) =	ssettm $0x7FFFFFFF  }
0xcd: {  	_ =	shalt  }
tec
execute0_lowered:
.L_overlay_start_1:
0x0: {  	(tag) =	ssettag $0x1  }
0x1: {  	s7 =	rddreg [dreg:$0x0]  }
0x2: {  	s9 =	rddreg [dreg:$0x1]  }
0x3: {  	s8 =	rddreg [dreg:$0x2]  }
0x4: {  	s4 =	rddreg [dreg:$0x3]  }
0x5: {  	s5 =	rddreg [dreg:$0x4]  }
0x6: {  	s6 =	rddreg [dreg:$0x5]  }
0x7: {  	s10 =	rddreg [dreg:$0x6]  }
0x8: {  	s0 =	rddreg [dreg:$0x7];
	s1 =	simm.s32 $0x0  }
0x9: {  	s11 =	srdreg.scid;
	s2 =	stileid.u32;
	s15 =	simm.s32 $0x400  }
0xa: {  	s16 =	simm.s32 $0x200;
	s17 =	simm.s32 $0xA00;
	s18 =	simm.s32 $0xE00  }
0xb: {  	s19 =	simm.s32 $0xC00;
	s20 =	simm.s32 $0x1000;
	s21 =	simm.s32 $0x1  }
0xc: {  	s22 =	simm.s32 $0x2;
	s23 =	simm.s32 $0x1200;
	s24 =	simm.s32 $0x0  }
0xd: {  	[smem:$0x7FF] =	sst s1;
	s3 =	sadd.s32 $0x98E00, s4;
	s11 =	sand.u32 $0x1, s11  }
0xe: {  	s13 =	sshll.u32 s2, $0x7;
	s4 =	sadd.s32 $0x400, s4;
	s12 =	ssub.s32 $0x2, s11  }
0xf: {  	_ =	strace $0x80000047;
	s11 =	sshll.u32 s11, $0x6;
	s14 =	sshrl.u32 s12, $0x1  }
0x10: {  	s11 =	sor.u32 s11, s13;
	s13 =	simm.s32 $0x3;
	s12 =	ssub.s32 s12, s14  }
0x11: {  	s5 =	sadd.s32 s5, s11;
	s6 =	sadd.s32 s6, s11;
	s7 =	sadd.s32 s7, s11  }
0x12: {  	v0 =	vimm.f32 $1.000000000e+00;
	s8 =	sadd.s32 s8, s11;
	s9 =	sadd.s32 s9, s11;
	s10 =	sadd.s32 s10, s11  }
0x13: {  	v1 =	vimm.s32 $0x2;
	v0 =	vand.u32 $0x7FFFFFFF, v0;
	s14 =	simm.s32 $0x800;
	s11 =	smax.u32 s12, $0x1;
	s12 =	simm.s32 $0x600  }
.LBB2_1:
0x14: {  	[tilespmem:s12], [sflag:$0x3] =	stream.linear.gather [hbm4b:s5+s1], $0x200, $0x38;
	[tilespmem:$0x1400] =	vst v63  }
0x15: {  	_ =	swait.ge [sflag:s13], $0x200  }
0x16: {  	[sflag:s13] =	ssyncset.done $0x0  }
0x17: {  	[sflag:s13] =	ssyncadd.s32 $0xFFFFFE00  }
0x18: {  	[tilespmem:s14], [sflag:$0x3] =	stream.linear.gather [hbm4b:s6+s1], $0x200, $0x38;
	[tilespmem:$0x1400] =	vst v63  }
0x19: {  	_ =	swait.ge [sflag:s13], $0x200  }
0x1a: {  	[sflag:s13] =	ssyncset.done $0x0  }
0x1b: {  	[sflag:s13] =	ssyncadd.s32 $0xFFFFFE00  }
0x1c: {  	[tilespmem:s1], [sflag:$0x3] =	stream.linear.gather [hbm4b:s7+s1], $0x200, $0x38;
	[tilespmem:$0x1400] =	vst v63  }
0x1d: {  	_ =	swait.ge [sflag:s13], $0x200  }
0x1e: {  	[sflag:s13] =	ssyncset.done $0x0  }
0x1f: {  	[sflag:s13] =	ssyncadd.s32 $0xFFFFFE00  }
0x20: {  	[tilespmem:s15], [sflag:$0x3] =	stream.linear.gather [hbm4b:s8+s1], $0x200, $0x38;
	[tilespmem:$0x1400] =	vst v63  }
0x21: {  	_ =	swait.ge [sflag:s13], $0x200  }
0x22: {  	[sflag:s13] =	ssyncset.done $0x0  }
0x23: {  	[sflag:s13] =	ssyncadd.s32 $0xFFFFFE00  }
0x24: {  	[tilespmem:s16], [sflag:$0x3] =	stream.linear.gather [hbm4b:s9+s1], $0x200, $0x38;
	[tilespmem:$0x1400] =	vst v63  }
0x25: {  	_ =	swait.ge [sflag:s13], $0x200  }
0x26: {  	[sflag:s13] =	ssyncset.done $0x0  }
0x27: {  	s28 =	simm.s32 $0x0;
	[sflag:s13] =	ssyncadd.s32 $0xFFFFFE00  }
0x28: {  	v3 =	vld [tilespmem:s28+$0x0]  }
0x29: {  	v4 =	vld [tilespmem:s28+$0x400];
	_ =	sdelay $0x2  }
0x2a: {  	s25 =	simm.s32 $0x10  }
0x2b: {  	v2 =	vld [tilespmem:s25+$0x0]  }
0x2c: {  	v5 =	vld [tilespmem:s25+$0x400];
	v4 =	vadd.f32 v4, v3;
	_ =	sdelay $0x1  }
0x2d: {  	v7 =	vld [tilespmem:s28+$0x600];
	v6 =	vand.u32 $0x80000000, v4;
	vm0 =	vlt.f32 v4, $0.0e+00;
	vm1 =	vgt.f32 v4, $0.0e+00  }
0x2e: {  	v6 =	vor.u32 v6, v0;
	vm0 =	vmor vm1, vm0  }
0x2f: {  	s26 =	simm.s32 $0x20;
	v8 =	vld [tilespmem:s28+$0x800];
	v4 =	vsel vm0, v6, v4  }
0x30: {  	v5 =	vadd.f32 v5, v2;
	vm1 =	veq.f32 v3, $0.0e+00;
	v3 =	vld [tilespmem:s26+$0x0];
	vm0 =	vgt.f32 v4, $0.0e+00  }
0x31: {  	v6 =	vld [tilespmem:s26+$0x400];
	v4 =	vsel vm0, $0x1, v1  }
0x32: {  	v10 =	vshll.u32 v7, $0x2;
	v9 =	vand.u32 $0x80000000, v5;
	v4 =	vsel vm1, $0x3, v4  }
0x33: {  	vm0 =	vlt.f32 v5, $0.0e+00;
	vm1 =	vgt.f32 v5, $0.0e+00;
	v10 =	vor.u32 v10, v4;
	v4 =	vld [tilespmem:s25+$0x600]  }
0x34: {  	s29 =	simm.s32 $0xC0;
	v9 =	vor.u32 v9, v0;
	vm0 =	vmor vm1, vm0;
	v10 =	vmul.u32 $0x3E8, v10  }
.LBB2_2:
0x35: {  	s30 =	sshra.s32 s29, $0x2;
	v11 =	vld [tilespmem:s25+$0x800];
	v9 =	vsel vm0, v9, v5;
	v14 =	vmul.u32 $0x3E8, v7;
	v12 =	vmov v3;
	p0 =	sne.s32 s29, $0x7C0  }
.Ltmp0:
0x36: {  	v3 =	vld [tilespmem:s30+$0x0];
	v5 =	vadd.f32 v6, v12;
	vm0 =	vgt.f32 v9, $0.0e+00;
	v9 =	vadd.s32 v8, v10;
	(pc) =	sbr.rel @p0 .LBB2_2-.Ltmp0, $4  }
0x37: {  	s29 =	sadd.s32 $0x40, s29;
	vm1 =	veq.f32 v2, $0.0e+00;
	v2 =	vmovc v12;
	v6 =	vld [tilespmem:s30+$0x400];
	v10 =	vsel vm0, $0x1, v1;
	v13 =	vadd.s32 v8, v14;
	[tilespmem:s28+$0xC00] =	vst v9  }
0x38: {  	v12 =	vand.u32 $0x80000000, v5;
	v9 =	vsel vm1, $0x3, v10;
	v10 =	vshll.u32 v4, $0x2;
	[tilespmem:s28+$0xA00] =	vst v13;
	v7 =	vmovc v4;
	s28 =	smov.u32 s25;
	s25 =	smov.u32 s26;
	s26 =	smov.u32 s30  }
0x39: {  	vm0 =	vlt.f32 v5, $0.0e+00;
	vm1 =	vgt.f32 v5, $0.0e+00;
	v4 =	vld [tilespmem:s25+$0x600];
	v10 =	vor.u32 v10, v9  }
0x3a: {  	v9 =	vor.u32 v12, v0;
	vm0 =	vmor vm1, vm0;
	v10 =	vmul.u32 $0x3E8, v10;
	v8 =	vmovc v11  }
0x3b: {  	v7 =	vmul.u32 $0x3E8, v7  }
0x3c: {  	v10 =	vadd.s32 v8, v10  }
0x3d: {  	v11 =	vld [tilespmem:s25+$0x800];
	v6 =	vadd.f32 v6, v3;
	v7 =	vadd.s32 v8, v7;
	[tilespmem:s28+$0xC00] =	vst v10  }
0x3e: {  	v5 =	vsel vm0, v9, v5;
	[tilespmem:s28+$0xA00] =	vst v7  }
0x3f: {  	v7 =	vand.u32 $0x80000000, v6;
	vm0 =	vlt.f32 v6, $0.0e+00;
	vm1 =	vgt.f32 v6, $0.0e+00;
	v8 =	vld [tilespmem:s26+$0x600]  }
0x40: {  	vm0 =	vmor vm1, vm0;
	vm1 =	vgt.f32 v5, $0.0e+00;
	v5 =	vor.u32 v7, v0  }
0x41: {  	v7 =	vsel vm1, $0x1, v1;
	vm1 =	veq.f32 v2, $0.0e+00;
	v2 =	vsel vm0, v5, v6  }
0x42: {  	v6 =	vshll.u32 v4, $0x2;
	v5 =	vsel vm1, $0x3, v7;
	vm0 =	vgt.f32 v2, $0.0e+00  }
0x43: {  	vm1 =	veq.f32 v3, $0.0e+00;
	v2 =	vor.u32 v6, v5;
	v5 =	vld [tilespmem:s26+$0x800];
	v3 =	vsel vm0, $0x1, v1  }
0x44: {  	v2 =	vmul.u32 $0x3E8, v2;
	v3 =	vsel vm1, $0x3, v3;
	v6 =	vshll.u32 v8, $0x2  }
0x45: {  	v4 =	vmul.u32 $0x3E8, v4;
	v3 =	vor.u32 v6, v3  }
0x46: {  	v2 =	vadd.s32 v11, v2;
	v3 =	vmul.u32 $0x3E8, v3  }
0x47: {  	v4 =	vadd.s32 v11, v4;
	[tilespmem:s25+$0xC00] =	vst v2;
	v2 =	vmul.u32 $0x3E8, v8  }
0x48: {  	[tilespmem:s25+$0xA00] =	vst v4;
	v3 =	vadd.s32 v5, v3  }
0x49: {  	v2 =	vadd.s32 v5, v2;
	[tilespmem:s26+$0xC00] =	vst v3  }
0x4a: {  	[tilespmem:s26+$0xA00] =	vst v2  }
0x4b: {  	[tilespmem:s18], [sflag:$0x1] =	stream.indirect.gather [hbm4b:s4+s16], $0x1, s17, s16, $0xb8;
	[tilespmem:$0x1400] =	vst v63  }
0x4c: {  	_ = 	snop  }
0x4d: {  	[tilespmem:s20], [sflag:$0x2] =	stream.indirect.gather [hbm4b:s3+s16], $0x1, s19, s16, $0xb8;
	[tilespmem:$0x1400] =	vst v63  }
0x4e: {  	_ =	swait.ge [sflag:s21], $0x200  }
0x4f: {  	[sflag:s21] =	ssyncset.done $0x0  }
0x50: {  	[sflag:s21] =	ssyncadd.s32 $0xFFFFFE00  }
0x51: {  	_ =	swait.ge [sflag:s22], $0x200  }
0x52: {  	[sflag:s22] =	ssyncset.done $0x0  }
0x53: {  	s29 =	simm.s32 $0x0;
	[sflag:s22] =	ssyncadd.s32 $0xFFFFFE00  }
0x54: {  	v2 =	vld [tilespmem:s29+$0xE00];
	_ =	sdelay $0x4  }
0x55: {  	v2 =	vadd.f32 v2, v2  }
0x56: {  	s28 =	simm.s32 $0x10  }
0x57: {  	v4 =	vadd.f32 $1.000000000e+00, v2;
	v2 =	vld [tilespmem:s28+$0xE00];
	_ =	sdelay $0x2  }
0x58: {  	s25 =	simm.s32 $0x20;
	v5 =	vld [tilespmem:s29+$0x0]  }
0x59: {  	v7 =	vld [tilespmem:s25+$0xE00];
	(erf) = vrcp.f32 v4  }
0x5a: {  	v6 =	vld [tilespmem:s29+$0x400];
	v2 =	vadd.f32 v2, v2;
	_ =	sdelay $0x1  }
0x5b: {  	v3 =	vadd.f32 $1.000000000e+00, v2  }
0x5c: {  	v10 =	vld [tilespmem:s29+$0x1000]  }
0x5d: {  	v11 =	vld [tilespmem:s28+$0x0];
	v2 =	vadd.f32 v7, v7;
	(erf) = vrcp.f32 v3  }
0x5e: {  	v12 =	vadd.f32 v6, v5;
	v6 =	vld [tilespmem:s28+$0x400]  }
0x5f: {  	s26 =	simm.s32 $0x30;
	v9 =	vld [tilespmem:s29+$0x200];
	v2 =	vadd.f32 $1.000000000e+00, v2  }
0x60: {  	v8 =	vld [tilespmem:s26+$0xE00];
	v5 =	vand.u32 $0x80000000, v12;
	vm0 =	vlt.f32 v12, $0.0e+00  }
0x61: {  	vm1 =	vgt.f32 v12, $0.0e+00;
	v13 =	vor.u32 v5, v0;
	v7 =	vpop (erf);
	(erf) = vrcp.f32 v2  }
0x62: {  	v5 =	vld [tilespmem:s28+$0x1000];
	vm0 =	vmor vm1, vm0;
	v15 =	vmul.f32 v4, v10;
	v14 =	vmul.f32 v7, v10  }
0x63: {  	v4 =	vld [tilespmem:s25+$0x0];
	v6 =	vadd.f32 v6, v11;
	v10 =	vsel vm0, v13, v12  }
0x64: {  	s30 =	simm.s32 $0x100;
	v7 =	vld [tilespmem:s25+$0x400];
	v12 =	vmin.f32 v9, v15;
	vm0 =	vgt.f32 v10, $0.0e+00;
	v11 =	vmax.f32 v9, v14  }
.LBB2_4:
0x65: {  	s31 =	sshra.s32 s30, $0x2;
	v13 =	vadd.f32 v8, v8;
	v14 =	vld [tilespmem:s28+$0x200];
	v11 =	vsel vm0, v11, v12;
	vm0 =	veq.f32 v10, $0.0e+00;
	p0 =	sne.s32 s30, $0x7C0  }
.Ltmp1:
0x66: {  	s30 =	sadd.s32 $0x40, s30;
	v10 =	vand.u32 $0x80000000, v6;
	vm1 =	vlt.f32 v6, $0.0e+00;
	v8 =	vld [tilespmem:s31+$0xE00];
	v12 =	vpop (erf);
	v9 =	vsel vm0, v9, v11;
	(pc) =	sbr.rel @p0 .LBB2_4-.Ltmp1, $4  }
0x67: {  	v10 =	vor.u32 v10, v0;
	vm0 =	vgt.f32 v6, $0.0e+00;
	v11 =	vadd.f32 $1.000000000e+00, v13;
	[tilespmem:s29+$0x1200] =	vst v9;
	s29 =	smov.u32 s28;
	s28 =	smov.u32 s25;
	s25 =	smov.u32 s26  }
0x68: {  	vm0 =	vmor vm0, vm1;
	v13 =	vmul.f32 v12, v5;
	v12 =	vmul.f32 v3, v5;
	v3 =	vmovc v2;
	s26 =	smov.u32 s31;
	v5 =	vld [tilespmem:s28+$0x1000]  }
0x69: {  	v10 =	vsel vm0, v10, v6;
	(erf) = vrcp.f32 v11;
	v6 =	vadd.f32 v7, v4;
	v4 =	vld [tilespmem:s25+$0x0];
	v2 =	vmovc v11  }
0x6a: {  	vm0 =	vgt.f32 v10, $0.0e+00;
	v7 =	vld [tilespmem:s25+$0x400];
	v11 =	vmax.f32 v14, v13;
	v12 =	vmin.f32 v14, v12;
	v9 =	vmovc v14  }
0x6b: {  	v8 =	vadd.f32 v8, v8;
	v13 =	vld [tilespmem:s28+$0x200];
	v11 =	vsel vm0, v11, v12;
	vm6 =	veq.f32 v10, $0.0e+00  }
0x6c: {  	v51 =	vand.u32 $0x80000000, v6;
	vm1 =	vlt.f32 v6, $0.0e+00;
	v9 =	vsel vm6, v9, v11  }
0x6d: {  	v52 =	vpop (erf);
	vm7 =	vgt.f32 v6, $0.0e+00;
	v10 =	vor.u32 v51, v0;
	v8 =	vadd.f32 $1.000000000e+00, v8;
	[tilespmem:s29+$0x1200] =	vst v9  }
0x6e: {  	vm0 =	vmor vm7, vm1;
	v53 =	vmul.f32 v52, v5;
	v3 =	vmul.f32 v3, v5;
	v54 =	vld [tilespmem:s26+$0x0]  }
0x6f: {  	v55 =	vsel vm0, v10, v6;
	v56 =	vld [tilespmem:s26+$0x400];
	(erf) = vrcp.f32 v8  }
0x70: {  	vm0 =	vgt.f32 v55, $0.0e+00;
	v9 =	vmax.f32 v13, v53;
	v3 =	vmin.f32 v13, v3  }
0x71: {  	v57 =	vld [tilespmem:s25+$0x1000];
	vm8 =	veq.f32 v55, $0.0e+00;
	v4 =	vadd.f32 v7, v4;
	v3 =	vsel vm0, v9, v3  }
0x72: {  	v3 =	vsel vm8, v13, v3  }
0x73: {  	v58 =	vld [tilespmem:s25+$0x200];
	v7 =	vand.u32 $0x80000000, v4;
	vm9 =	vlt.f32 v4, $0.0e+00;
	vm10 =	vgt.f32 v4, $0.0e+00;
	[tilespmem:s28+$0x1200] =	vst v3  }
0x74: {  	v7 =	vor.u32 v7, v0;
	vm0 =	vmor vm10, vm9;
	v5 =	vadd.f32 v56, v54;
	v59 =	vld [tilespmem:s26+$0x1000]  }
0x75: {  	v4 =	vsel vm0, v7, v4  }
0x76: {  	v2 =	vmul.f32 v2, v57;
	v60 =	vld [tilespmem:s26+$0x200];
	vm13 =	vgt.f32 v4, $0.0e+00;
	v3 =	vpop (erf);
	vm11 =	vlt.f32 v5, $0.0e+00  }
0x77: {  	vm12 =	vgt.f32 v5, $0.0e+00;
	v10 =	vand.u32 $0x80000000, v5;
	v3 =	vmul.f32 v3, v57  }
0x78: {  	v2 =	vmin.f32 v58, v2;
	vm0 =	vmor vm12, vm11;
	v10 =	vor.u32 v10, v0;
	v61 =	vpop (erf)  }
0x79: {  	v3 =	vmax.f32 v58, v3;
	v11 =	vmul.f32 v61, v59;
	v8 =	vmul.f32 v8, v59  }
0x7a: {  	vm14 =	veq.f32 v4, $0.0e+00;
	v2 =	vsel vm13, v3, v2;
	v3 =	vsel vm0, v10, v5  }
0x7b: {  	vm0 =	vgt.f32 v3, $0.0e+00;
	v62 =	vmax.f32 v60, v11;
	v63 =	vmin.f32 v60, v8  }
0x7c: {  	s24 =	sadd.s32 $0x1, s24;
	v2 =	vsel vm14, v58, v2;
	vm15 =	veq.f32 v3, $0.0e+00;
	v4 =	vsel vm0, v62, v63  }
0x7d: {  	p0 =	sne.s32 s24, s11;
	[tilespmem:s25+$0x1200] =	vst v2;
	v2 =	vsel vm15, v60, v4  }
.Ltmp2:
0x7e: {  	[tilespmem:s26+$0x1200] =	vst v2;
	(pc) =	sbr.rel @p0 .LBB2_1-.Ltmp2, $4  }
0x7f: {  	[hbm4b:s10+s1] =	stream.linear.scatter [tilespmem:s23], [sflag:$0x3], $0x200, $0x38;
	[tilespmem:$0x1400] =	vst v63  }
0x80: {  	_ =	swait.ge [sflag:s13], $0x200  }
0x81: {  	[sflag:s13] =	ssyncset.done $0x0  }
0x82: {  	[sflag:s13] =	ssyncadd.s32 $0xFFFFFE00  }
0x83: {  	_ =	sfence.sel $0x180000  }
0x84: {  	[bflag:$0x0] =	sbarrier.arrive $0xFFFF  }
0x85: {  	p0 =	sne.s32 s2, $0x0;
	_ =	strace $0x90000047  }
0x86: {  	s0 =	sadd.s32 @!p0 $0x100000, s0;
	[bflag:$0x2] =	sbarrier.arrive $0xFFFF  }
0x87: {  	[sflag:s0] =	ssyncadd.tile.s32 @!p0 $0x1;
	_ =	shalt  }
.Lfunc_end2:
_tile_overlayer_lowered:
.L_overlay_start_2:
0x88: {  	(tag) =	ssettag $0x2  }
0x89: {  	s0 =	rddreg [dreg:$0x0];
	s2 =	stileid.u32  }
0x8a: {  	s1 =	rddreg [dreg:$0x1];
	p0 =	sne.s32 s2, $0x0  }
0x8b: {  	s3 =	rddreg [dreg:$0x2];
	[bflag:$0x3] =	sbarrier.arrive $0xFFFF;
	s2 =	simm.s32 @!p0 $0x1C03  }
0x8c: {  	[timem:s3], [sflag:s2] =	dma.local @!p0 [hbm:s0], s1  }
0x8d: {  	s0 =	simm.s32 @!p0 $0x3  }
0x8e: {  	_ =	swait.ge @!p0 [sflag:s0], s1  }
0x8f: {  	s1 =	ssub.s32 @!p0 $0x0, s1;
	[sflag:s0] =	ssyncset.done @!p0 $0x0  }
0x90: {  	[sflag:s0] =	ssyncadd.s32 @!p0 s1  }
0x91: {  	[bflag:$0x3] =	sbarrier.arrive $0xFFFF  }
0x92: {  	_ =	shalt  }

</sc_bundles>
